<compile_context>
chip_gen: v7x
topology: tpu7x:2x2x1
jax: 0.10.2.dev20260603
libtpu: 0.0.44.dev20260713+nightly
codegen_flags: <defaults>
</compile_context>

<pallas_src>
import functools

import jax
import jax.numpy as jnp
from jax.experimental import pallas as pl
from jax.experimental.pallas import tpu as pltpu
from jax.experimental.pallas import tpu_sc as plsc

IMG_SIZE = 128
UNO_RES = 64
KNN = 3
NF = 64
OC = 256
B = 2
N = IMG_SIZE * IMG_SIZE
Q = UNO_RES * UNO_RES
PAD_C = 16

QB = 128
NQB = Q // QB

QB2 = 512
NQB2 = Q // QB2

_BIG = 3.0e38


def _top3_body(qx_ref, qy_ref, cx_ref, cy_ref, idx_ref):
    g = pl.program_id(0)
    b = g // NQB
    qx = qx_ref[...]
    qy = qy_ref[...]
    cx = cx_ref[0]
    cy = cy_ref[0]
    qq = qx * qx + qy * qy
    cc = cx * cx + cy * cy
    q2 = jnp.concatenate([qx, qy], axis=1)
    c2 = jnp.concatenate([cx, cy], axis=0)
    cross = jnp.dot(q2, c2, preferred_element_type=jnp.float32)
    d2 = qq + cc - 2.0 * cross
    lane = jax.lax.broadcasted_iota(jnp.int32, (QB, N), 1)

    idxs = []
    for _ in range(KNN):
        m = jnp.min(d2, axis=1, keepdims=True)
        hit = d2 == m
        i = jnp.min(jnp.where(hit, lane, N), axis=1, keepdims=True)
        d2 = jnp.where(lane == i, _BIG, d2)
        idxs.append(i)

    fidx = jnp.concatenate(idxs, axis=1) + b * N
    idx_ref[0] = fidx


def _top3(qx, qy, cx, cy):
    grid = (B * NQB,)
    return pl.pallas_call(
        _top3_body,
        grid=grid,
        in_specs=[
            pl.BlockSpec((QB, 1), lambda g: (g % NQB, 0)),
            pl.BlockSpec((QB, 1), lambda g: (g % NQB, 0)),
            pl.BlockSpec((1, 1, N), lambda g: (g // NQB, 0, 0)),
            pl.BlockSpec((1, 1, N), lambda g: (g // NQB, 0, 0)),
        ],
        out_specs=pl.BlockSpec((1, QB, KNN), lambda g: (g, 0, 0)),
        out_shape=jax.ShapeDtypeStruct((B * NQB, QB, KNN), jnp.int32),
        compiler_params=pltpu.CompilerParams(
            dimension_semantics=("arbitrary",),
        ),
    )(qx, qy, cx, cy)


_NC = 2
_NS = 16
_NW = _NC * _NS
_ROWS = B * Q * KNN
_RPW = _ROWS // _NW

def _sc_gather_body(table_hbm, idx_hbm, out_hbm, idx_v, rows_v, sem):
    wid = jax.lax.axis_index("s") * _NC + jax.lax.axis_index("c")
    base = wid * _RPW
    pltpu.sync_copy(idx_hbm.at[pl.ds(base, _RPW)], idx_v)
    pltpu.async_copy(table_hbm.at[idx_v], rows_v, sem).wait()
    pltpu.sync_copy(rows_v, out_hbm.at[pl.ds(base, _RPW)])


@functools.cache
def _sc_gather_kernel():
    mesh = plsc.VectorSubcoreMesh(
        core_axis_name="c", subcore_axis_name="s",
        num_cores=_NC, num_subcores=_NS)
    return pl.kernel(
        _sc_gather_body,
        mesh=mesh,
        out_type=jax.ShapeDtypeStruct((_ROWS, PAD_C), jnp.float32),
        scratch_types=[
            pltpu.VMEM((_RPW,), jnp.int32),
            pltpu.VMEM((_RPW, PAD_C), jnp.float32),
            pltpu.SemaphoreType.DMA,
        ],
        compiler_params=pltpu.CompilerParams(use_tc_tiling_on_sc=False),
    )


def _sc_gather(table, idx):
    return _sc_gather_kernel()(table, idx)


def _trunk_body(xg0_ref, xg1_ref, xg2_ref, qx_ref, qy_ref,
                winp_ref, wuno_ref, buno_ref,
                wmid_ref, bmid_ref, wout_ref, bout_ref, out_ref, acc_ref):
    qb = pl.program_id(1)

    @pl.when(qb == 0)
    def _():
        acc_ref[...] = jnp.zeros_like(acc_ref)

    qx = qx_ref[...]
    qy = qy_ref[...]
    num = None
    s = None
    for ref in (xg0_ref, xg1_ref, xg2_ref):
        xgk = ref[0]
        dx = xgk[:, 3:4] - qx
        dy = xgk[:, 4:5] - qy
        sqd = dx * dx + dy * dy
        w = 1.0 / jnp.maximum(sqd, 1e-16)
        num = w * xgk if num is None else num + w * xgk
        s = w if s is None else s + w
    xc = num / s

    w2 = jnp.dot(winp_ref[...], wuno_ref[...],
                 preferred_element_type=jnp.float32)
    b2 = buno_ref[...]
    t = jnp.dot(xc, w2, preferred_element_type=jnp.float32) + b2
    u = jax.nn.gelu(jnp.dot(t, wmid_ref[...],
                            preferred_element_type=jnp.float32)
                    + bmid_ref[...])
    acc_ref[0:1, :] += jnp.sum(u, axis=0, keepdims=True)

    @pl.when(qb == NQB2 - 1)
    def _():
        pooled = acc_ref[0:1, :] * (1.0 / Q)
        res = (jnp.dot(pooled, wout_ref[...],
                       preferred_element_type=jnp.float32)
               + bout_ref[...])
        out_ref[...] = jnp.broadcast_to(res[None], (1, 8, OC))


def _trunk(xg, qx, qy, w_inp, w_uno, b2, w_mid, b_mid, w_out, b_out):
    grid = (B, NQB2)
    full = lambda i, j: (0, 0)
    out = pl.pallas_call(
        _trunk_body,
        grid=grid,
        in_specs=[
            pl.BlockSpec((1, QB2, PAD_C), lambda i, j: (0, i * NQB2 + j, 0)),
            pl.BlockSpec((1, QB2, PAD_C), lambda i, j: (1, i * NQB2 + j, 0)),
            pl.BlockSpec((1, QB2, PAD_C), lambda i, j: (2, i * NQB2 + j, 0)),
            pl.BlockSpec((QB2, 1), lambda i, j: (j, 0)),
            pl.BlockSpec((QB2, 1), lambda i, j: (j, 0)),
            pl.BlockSpec((PAD_C, NF), full),
            pl.BlockSpec((NF, NF), full),
            pl.BlockSpec((1, NF), full),
            pl.BlockSpec((NF, OC), full),
            pl.BlockSpec((1, OC), full),
            pl.BlockSpec((OC, OC), full),
            pl.BlockSpec((1, OC), full),
        ],
        out_specs=pl.BlockSpec((1, 8, OC), lambda i, j: (i, 0, 0)),
        out_shape=jax.ShapeDtypeStruct((B, 8, OC), jnp.float32),
        scratch_shapes=[pltpu.VMEM((8, OC), jnp.float32)],
        compiler_params=pltpu.CompilerParams(
            dimension_semantics=("arbitrary", "arbitrary"),
        ),
    )(xg, xg, xg, qx, qy, w_inp, w_uno, b2, w_mid, b_mid, w_out, b_out)
    return out[:, 0, :]


def kernel(x, coords, W_in, b_in, W_uno, b_uno, W_mid, b_mid, W_out, b_out):
    lin = jnp.linspace(0.0, 1.0, UNO_RES)
    qx = jnp.repeat(lin, UNO_RES).reshape(Q, 1)
    qy = jnp.tile(lin, UNO_RES).reshape(Q, 1)
    cx = coords[:, :, 0].reshape(B, 1, N)
    cy = coords[:, :, 1].reshape(B, 1, N)
    xp = jnp.pad(
        jnp.concatenate([x.reshape(B * N, 3), coords.reshape(B * N, 2)], axis=1),
        ((0, 0), (0, PAD_C - 5)))
    w_inp = jnp.pad(W_in, ((0, PAD_C - 3), (0, 0)))
    b2 = (b_in @ W_uno + b_uno).reshape(1, NF)
    bmid2 = b_mid.reshape(1, OC)
    bout2 = b_out.reshape(1, OC)

    idx = _top3(qx, qy, cx, cy)
    idx_flat = idx.reshape(B * Q, KNN).T.reshape(_ROWS)

    xg = _sc_gather(xp, idx_flat)
    xg3 = xg.reshape(KNN, B * Q, PAD_C)

    return _trunk(xg3, qx, qy, w_inp, W_uno, b2, W_mid, bmid2, W_out, bout2)

# --- scband reference (transcript-rebuilt; emitter-appended) ---
"""Pipeline reference for scband-sparse-encoder-29850022708104 (READ-ONLY COPY).

The authoritative reference and input builder live on the scoring server;
editing this copy changes nothing except your own understanding.
"""

import jax, jax.numpy as jnp
import numpy as np

IMG_SIZE = 128
UNO_RES = 64
KNN = 3
NF = 64
OC = 256
C_IN = 3
B = 2

def _uno_grid():
    lin = jnp.linspace(0.0, 1.0, UNO_RES)
    gx, gy = jnp.meshgrid(lin, lin, indexing='ij')
    return jnp.stack([gx, gy], axis=-1).reshape(1, UNO_RES * UNO_RES, 2)

def setup_inputs(seed: int = 0):
    key = jax.random.key(seed)
    ks = jax.random.split(key, 12)
    N = IMG_SIZE * IMG_SIZE
    x = jax.random.normal(ks[0], (B, N, C_IN), dtype=jnp.float32)
    coords = jax.random.uniform(ks[1], (B, N, 2), dtype=jnp.float32)
    W_in = jax.random.normal(ks[2], (C_IN, NF), dtype=jnp.float32) * (1.0 / np.sqrt(C_IN))
    b_in = jnp.zeros((NF,), dtype=jnp.float32)
    W_uno = jax.random.normal(ks[3], (NF, NF), dtype=jnp.float32) * (1.0 / np.sqrt(NF))
    b_uno = jnp.zeros((NF,), dtype=jnp.float32)
    W_mid = jax.random.normal(ks[4], (NF, OC), dtype=jnp.float32) * (1.0 / np.sqrt(NF))
    b_mid = jnp.zeros((OC,), dtype=jnp.float32)
    W_out = jax.random.normal(ks[5], (OC, OC), dtype=jnp.float32) * (1.0 / np.sqrt(OC))
    b_out = jnp.zeros((OC,), dtype=jnp.float32)
    return {"x": x, "coords": coords, "W_in": W_in, "b_in": b_in, "W_uno": W_uno, "b_uno": b_uno, "W_mid": W_mid, "b_mid": b_mid, "W_out": W_out, "b_out": b_out}

def reference(x, coords, W_in, b_in, W_uno, b_uno, W_mid, b_mid, W_out, b_out):
    bsz = x.shape[0]
    h = x @ W_in + b_in              # linear_in
    h = h @ W_uno + b_uno            # uno_linear_in
    grid = _uno_grid()               # [1, Q, 2]
    q = jnp.broadcast_to(grid, (bsz, grid.shape[1], 2))
    # knn_points under no_grad in the original module
    cs = jax.lax.stop_gradient(coords)
    qs = jax.lax.stop_gradient(q)
    d2 = (jnp.sum(qs * qs, axis=-1)[:, :, None]
          + jnp.sum(cs * cs, axis=-1)[:, None, :]
          - 2.0 * jnp.einsum('bqd,bnd->bqn', qs, cs))  # [B, Q, N]
    _, idx = jax.lax.top_k(-d2, KNN)                    # [B, Q, K] nearest
    nc = jax.vmap(lambda c, i: c[i])(cs, idx)           # neighbour coords [B, Q, K, 2]
    diff = nc - qs[:, :, None, :]
    sqd = jnp.sum(diff * diff, axis=-1, keepdims=True)
    w = 1.0 / jnp.clip(sqd, 1e-16, None)
    neigh = jax.vmap(lambda f, i: f[i])(h, idx)         # knn_gather [B, Q, K, NF]
    out = jnp.sum(neigh * w, axis=2) / jnp.sum(w, axis=2)  # inverse-distance interp [B, Q, NF]
    out = jax.nn.gelu(out @ W_mid + b_mid)              # stand-in for UNO encoder trunk
    out = jnp.mean(out, axis=1)                         # spatial mean pool
    out = out @ W_out + b_out                           # linear_out
    return out

if __name__ == "__main__":
    import jax
    _d = setup_inputs()
    print(jax.jit(kernel)(*tuple(_d.values())))

</pallas_src>

<mosaic_0001>
#map = affine_map<(d0, d1) -> (0, 0)>
#map1 = affine_map<(d0, d1) -> (0)>
module attributes {stable_mosaic.version = 14 : i64} {
  func.func @_sc_gather_body(%arg0: i32, %arg1: i32, %arg2: memref<32768x16xf32, #tpu.memory_space<hbm>>, %arg3: memref<24576xi32, #tpu.memory_space<hbm>>, %arg4: memref<24576x16xf32, #tpu.memory_space<hbm>>, %arg5: memref<768xi32, #tpu.memory_space<vmem>>, %arg6: memref<768x16xf32, #tpu.memory_space<vmem>>, %arg7: memref<!tpu.dma_semaphore, #tpu.memory_space<semaphore_mem>>) attributes {dimension_semantics = [#tpu.dimension_semantics<core_parallel>, #tpu.dimension_semantics<subcore_parallel>], iteration_bounds = array<i64: 2, 16>, scalar_prefetch = 0 : i64, scratch_operands = 3 : i64, tpu.core_type = #tpu.core_type<sc_vector_subcore>, window_params = [{transform_indices = #map}, {transform_indices = #map1}, {transform_indices = #map}]} {
    %mul3A = arith.constant 2 : i32
    %mul3A_0 = arith.muli %arg1, %mul3A : i32
    %add3A = arith.addi %mul3A_0, %arg0 : i32
    %mul3A_1 = arith.constant 768 : i32
    %mul3A_2 = arith.muli %add3A, %mul3A_1 : i32
    "tpu.region"() ({
      %run_scoped3A = tpu.sem_alloc : memref<!tpu.dma_semaphore, #tpu.memory_space<semaphore_mem>>
      %dma_start3A_7 = tpu.memref_slice %arg3[%mul3A_2] : memref<24576xi32, #tpu.memory_space<hbm>> -> memref<768xi32, #tpu.memory_space<hbm>>
      %dma_start3A_8 = tpu.memref_slice %arg3[%mul3A_2] : memref<24576xi32, #tpu.memory_space<hbm>> -> memref<768xi32, #tpu.memory_space<hbm>>
      tpu.enqueue_dma source(%dma_start3A_8 : memref<768xi32, #tpu.memory_space<hbm>>) target(%arg5 : memref<768xi32, #tpu.memory_space<vmem>>) target_semaphore(%run_scoped3A : memref<!tpu.dma_semaphore, #tpu.memory_space<semaphore_mem>>)
      %dma_wait3A_9 = tpu.memref_slice %arg3[%mul3A_2] : memref<24576xi32, #tpu.memory_space<hbm>> -> memref<768xi32, #tpu.memory_space<hbm>>
      %dma_wait3A_10 = tpu.memref_slice %arg3[%mul3A_2] : memref<24576xi32, #tpu.memory_space<hbm>> -> memref<768xi32, #tpu.memory_space<hbm>>
      tpu.wait_dma2 semaphore(%run_scoped3A : memref<!tpu.dma_semaphore, #tpu.memory_space<semaphore_mem>>) src(%dma_wait3A_10 : memref<768xi32, #tpu.memory_space<hbm>>) dst(%arg5 : memref<768xi32, #tpu.memory_space<vmem>>)
      tpu.yield
    }) : () -> ()
    %dma_start3A = arith.constant 0 : i32
    %dma_start3A_3 = arith.constant 0 : i32
    %dma_start3A_4 = tpu.memref_slice %arg2[%dma_start3A, %dma_start3A_3] : memref<32768x16xf32, #tpu.memory_space<hbm>> -> memref<32768x16xf32, #tpu.memory_space<hbm>>
    tpu.enqueue_indirect_dma source(%dma_start3A_4 : memref<32768x16xf32, #tpu.memory_space<hbm>>) target(%arg6 : memref<768x16xf32, #tpu.memory_space<vmem>>) offsets(%arg5 : memref<768xi32, #tpu.memory_space<vmem>>) semaphore(%arg7 : memref<!tpu.dma_semaphore, #tpu.memory_space<semaphore_mem>>)
    %dma_wait3A = arith.constant 0 : i32
    %dma_wait3A_5 = arith.constant 0 : i32
    %dma_wait3A_6 = tpu.memref_slice %arg2[%dma_wait3A, %dma_wait3A_5] : memref<32768x16xf32, #tpu.memory_space<hbm>> -> memref<32768x16xf32, #tpu.memory_space<hbm>>
    tpu.wait_indirect_dma semaphore(%arg7 : memref<!tpu.dma_semaphore, #tpu.memory_space<semaphore_mem>>) src(%dma_wait3A_6 : memref<32768x16xf32, #tpu.memory_space<hbm>>) dst(%arg6 : memref<768x16xf32, #tpu.memory_space<vmem>>)
    "tpu.region"() ({
      %run_scoped3A = tpu.sem_alloc : memref<!tpu.dma_semaphore, #tpu.memory_space<semaphore_mem>>
      %dma_start3A_7 = arith.constant 0 : i32
      %dma_start3A_8 = tpu.memref_slice %arg4[%mul3A_2, %dma_start3A_7] : memref<24576x16xf32, #tpu.memory_space<hbm>> -> memref<768x16xf32, #tpu.memory_space<hbm>>
      %dma_start3A_9 = arith.constant 0 : i32
      %dma_start3A_10 = tpu.memref_slice %arg4[%mul3A_2, %dma_start3A_9] : memref<24576x16xf32, #tpu.memory_space<hbm>> -> memref<768x16xf32, #tpu.memory_space<hbm>>
      tpu.enqueue_dma source(%arg6 : memref<768x16xf32, #tpu.memory_space<vmem>>) target(%dma_start3A_10 : memref<768x16xf32, #tpu.memory_space<hbm>>) target_semaphore(%run_scoped3A : memref<!tpu.dma_semaphore, #tpu.memory_space<semaphore_mem>>)
      %dma_wait3A_11 = arith.constant 0 : i32
      %dma_wait3A_12 = tpu.memref_slice %arg4[%mul3A_2, %dma_wait3A_11] : memref<24576x16xf32, #tpu.memory_space<hbm>> -> memref<768x16xf32, #tpu.memory_space<hbm>>
      %dma_wait3A_13 = arith.constant 0 : i32
      %dma_wait3A_14 = tpu.memref_slice %arg4[%mul3A_2, %dma_wait3A_13] : memref<24576x16xf32, #tpu.memory_space<hbm>> -> memref<768x16xf32, #tpu.memory_space<hbm>>
      tpu.wait_dma2 semaphore(%run_scoped3A : memref<!tpu.dma_semaphore, #tpu.memory_space<semaphore_mem>>) src(%arg6 : memref<768x16xf32, #tpu.memory_space<vmem>>) dst(%dma_wait3A_14 : memref<768x16xf32, #tpu.memory_space<hbm>>)
      tpu.yield
    }) : () -> ()
    return
  }
}

module attributes {stable_mosaic.version = 14 : i64} {
  func.func @_top3_body(%arg0: i32, %arg1: memref<128x1xf32, #tpu.memory_space<vmem>>, %arg2: memref<128x1xf32, #tpu.memory_space<vmem>>, %arg3: memref<1x1x16384xf32, #tpu.memory_space<vmem>>, %arg4: memref<1x1x16384xf32, #tpu.memory_space<vmem>>, %arg5: memref<1x128x3xi32, #tpu.memory_space<vmem>>) attributes {dimension_semantics = [#tpu.dimension_semantics<arbitrary>], iteration_bounds = array<i64: 64>, scalar_prefetch = 0 : i64, scratch_operands = 0 : i64, tpu.core_type = #tpu.core_type<tc>, window_params = [{transform_indices = @transform_0, window_bounds = array<i64: 128, 1>}, {transform_indices = @transform_1, window_bounds = array<i64: 128, 1>}, {transform_indices = @transform_2, window_bounds = array<i64: 1, 1, 16384>}, {transform_indices = @transform_3, window_bounds = array<i64: 1, 1, 16384>}, {transform_indices = @transform_4, window_bounds = array<i64: 1, 128, 3>}]} {
    %jit3A = arith.constant 32 : i32
    %div3A = arith.divsi %arg0, %jit3A : i32
    %sign3A = arith.constant 0 : i32
    %sign3A_0 = arith.cmpi sgt, %arg0, %sign3A : i32
    %sign3A_1 = arith.extui %sign3A_0 : i1 to i32
    %sign3A_2 = arith.constant 0 : i32
    %sign3A_3 = arith.cmpi slt, %arg0, %sign3A_2 : i32
    %sign3A_4 = arith.extui %sign3A_3 : i1 to i32
    %sign3A_5 = arith.subi %sign3A_1, %sign3A_4 : i32
    %sign3A_6 = arith.constant 0 : i32
    %sign3A_7 = arith.cmpi sgt, %jit3A, %sign3A_6 : i32
    %sign3A_8 = arith.extui %sign3A_7 : i1 to i32
    %sign3A_9 = arith.constant 0 : i32
    %sign3A_10 = arith.cmpi slt, %jit3A, %sign3A_9 : i32
    %sign3A_11 = arith.extui %sign3A_10 : i1 to i32
    %sign3A_12 = arith.subi %sign3A_8, %sign3A_11 : i32
    %ne3A = arith.cmpi ne, %sign3A_5, %sign3A_12 : i32
    %rem3A = arith.remsi %arg0, %jit3A : i32
    %ne3A_13 = arith.constant 0 : i32
    %ne3A_14 = arith.cmpi ne, %rem3A, %ne3A_13 : i32
    %and3A = arith.andi %ne3A, %ne3A_14 : i1
    %sub3A = arith.constant 1 : i32
    %sub3A_15 = arith.subi %div3A, %sub3A : i32
    %select_n3A = arith.select %and3A, %sub3A_15, %div3A : i32
    %get3A = arith.constant 0 : index
    %get3A_16 = arith.constant 0 : index
    %get3A_17 = vector.load %arg1[%get3A, %get3A_16] : memref<128x1xf32, #tpu.memory_space<vmem>>, vector<128x1xf32>
    %get3A_18 = arith.constant 0 : index
    %get3A_19 = arith.constant 0 : index
    %get3A_20 = vector.load %arg2[%get3A_18, %get3A_19] : memref<128x1xf32, #tpu.memory_space<vmem>>, vector<128x1xf32>
    %get3A_21 = arith.constant 0 : index
    %get3A_22 = arith.constant 0 : index
    %get3A_23 = arith.constant 0 : index
    %get3A_24 = vector.load %arg3[%get3A_21, %get3A_22, %get3A_23] : memref<1x1x16384xf32, #tpu.memory_space<vmem>>, vector<1x1x16384xf32>
    %get3A_25 = vector.shape_cast %get3A_24 : vector<1x1x16384xf32> to vector<1x16384xf32>
    %get3A_26 = arith.constant 0 : index
    %get3A_27 = arith.constant 0 : index
    %get3A_28 = arith.constant 0 : index
    %get3A_29 = vector.load %arg4[%get3A_26, %get3A_27, %get3A_28] : memref<1x1x16384xf32, #tpu.memory_space<vmem>>, vector<1x1x16384xf32>
    %get3A_30 = vector.shape_cast %get3A_29 : vector<1x1x16384xf32> to vector<1x16384xf32>
    %mul3A = arith.mulf %get3A_17, %get3A_17 : vector<128x1xf32>
    %mul3A_31 = arith.mulf %get3A_20, %get3A_20 : vector<128x1xf32>
    %add3A = arith.addf %mul3A, %mul3A_31 : vector<128x1xf32>
    %mul3A_32 = arith.mulf %get3A_25, %get3A_25 : vector<1x16384xf32>
    %mul3A_33 = arith.mulf %get3A_30, %get3A_30 : vector<1x16384xf32>
    %add3A_34 = arith.addf %mul3A_32, %mul3A_33 : vector<1x16384xf32>
    %concatenate3A = tpu.concatenate %get3A_17, %get3A_20 in 1 : vector<128x1xf32>, vector<128x1xf32> -> vector<128x2xf32>
    %concatenate3A_35 = tpu.concatenate %get3A_25, %get3A_30 in 0 : vector<1x16384xf32>, vector<1x16384xf32> -> vector<2x16384xf32>
    %dot_general3A = arith.constant dense<0.000000e+00> : vector<128x16384xf32>
    %dot_general3A_36 = tpu.matmul %concatenate3A, %concatenate3A_35, %dot_general3A {dimension_numbers = #tpu.dot_dimension_numbers<[1], [0], [0], [1], [0, 0, 1, 1], [], []>, transpose_lhs_hint = false} : vector<128x2xf32>, vector<2x16384xf32>, vector<128x16384xf32> -> vector<128x16384xf32>
    %add3A_37 = vector.broadcast %add3A : vector<128x1xf32> to vector<128x16384xf32>
    %add3A_38 = vector.broadcast %add3A_34 : vector<1x16384xf32> to vector<128x16384xf32>
    %add3A_39 = arith.addf %add3A_37, %add3A_38 : vector<128x16384xf32>
    %mul3A_40 = arith.constant 2.000000e+00 : f32
    %mul3A_41 = vector.broadcast %mul3A_40 : f32 to vector<128x16384xf32>
    %mul3A_42 = arith.mulf %mul3A_41, %dot_general3A_36 : vector<128x16384xf32>
    %sub3A_43 = arith.subf %add3A_39, %mul3A_42 : vector<128x16384xf32>
    %iota3A = tpu.iota {dimensions = array<i32: 1>} : vector<128x16384xi32>
    %reduce_min3A = arith.constant dense<0x7F800000> : vector<128xf32>
    %reduce_min3A_44 = vector.multi_reduction <minimumf>, %sub3A_43, %reduce_min3A [1] : vector<128x16384xf32> to vector<128xf32>
    %broadcast_in_dim3A = vector.shape_cast %reduce_min3A_44 : vector<128xf32> to vector<128x1xf32>
    %eq3A = vector.broadcast %broadcast_in_dim3A : vector<128x1xf32> to vector<128x16384xf32>
    %eq3A_45 = arith.cmpf oeq, %sub3A_43, %eq3A : vector<128x16384xf32>
    %jit3A_46 = arith.constant 16384 : i32
    %broadcast_in_dim3A_47 = vector.broadcast %jit3A_46 : i32 to vector<128x16384xi32>
    %select_n3A_48 = arith.select %eq3A_45, %iota3A, %broadcast_in_dim3A_47 : vector<128x16384xi1>, vector<128x16384xi32>
    %reduce_min3A_49 = arith.constant dense<2147483647> : vector<128xi32>
    %reduce_min3A_50 = vector.multi_reduction <minsi>, %select_n3A_48, %reduce_min3A_49 [1] : vector<128x16384xi32> to vector<128xi32>
    %broadcast_in_dim3A_51 = vector.shape_cast %reduce_min3A_50 : vector<128xi32> to vector<128x1xi32>
    %eq3A_52 = vector.broadcast %broadcast_in_dim3A_51 : vector<128x1xi32> to vector<128x16384xi32>
    %eq3A_53 = arith.cmpi eq, %iota3A, %eq3A_52 : vector<128x16384xi32>
    %jit3A_54 = arith.constant 3.000000e+38 : f32
    %broadcast_in_dim3A_55 = vector.broadcast %jit3A_54 : f32 to vector<128x16384xf32>
    %select_n3A_56 = arith.select %eq3A_53, %broadcast_in_dim3A_55, %sub3A_43 : vector<128x16384xi1>, vector<128x16384xf32>
    %reduce_min3A_57 = arith.constant dense<0x7F800000> : vector<128xf32>
    %reduce_min3A_58 = vector.multi_reduction <minimumf>, %select_n3A_56, %reduce_min3A_57 [1] : vector<128x16384xf32> to vector<128xf32>
    %broadcast_in_dim3A_59 = vector.shape_cast %reduce_min3A_58 : vector<128xf32> to vector<128x1xf32>
    %eq3A_60 = vector.broadcast %broadcast_in_dim3A_59 : vector<128x1xf32> to vector<128x16384xf32>
    %eq3A_61 = arith.cmpf oeq, %select_n3A_56, %eq3A_60 : vector<128x16384xf32>
    %jit3A_62 = arith.constant 16384 : i32
    %broadcast_in_dim3A_63 = vector.broadcast %jit3A_62 : i32 to vector<128x16384xi32>
    %select_n3A_64 = arith.select %eq3A_61, %iota3A, %broadcast_in_dim3A_63 : vector<128x16384xi1>, vector<128x16384xi32>
    %reduce_min3A_65 = arith.constant dense<2147483647> : vector<128xi32>
    %reduce_min3A_66 = vector.multi_reduction <minsi>, %select_n3A_64, %reduce_min3A_65 [1] : vector<128x16384xi32> to vector<128xi32>
    %broadcast_in_dim3A_67 = vector.shape_cast %reduce_min3A_66 : vector<128xi32> to vector<128x1xi32>
    %eq3A_68 = vector.broadcast %broadcast_in_dim3A_67 : vector<128x1xi32> to vector<128x16384xi32>
    %eq3A_69 = arith.cmpi eq, %iota3A, %eq3A_68 : vector<128x16384xi32>
    %jit3A_70 = arith.constant 3.000000e+38 : f32
    %broadcast_in_dim3A_71 = vector.broadcast %jit3A_70 : f32 to vector<128x16384xf32>
    %select_n3A_72 = arith.select %eq3A_69, %broadcast_in_dim3A_71, %select_n3A_56 : vector<128x16384xi1>, vector<128x16384xf32>
    %reduce_min3A_73 = arith.constant dense<0x7F800000> : vector<128xf32>
    %reduce_min3A_74 = vector.multi_reduction <minimumf>, %select_n3A_72, %reduce_min3A_73 [1] : vector<128x16384xf32> to vector<128xf32>
    %broadcast_in_dim3A_75 = vector.shape_cast %reduce_min3A_74 : vector<128xf32> to vector<128x1xf32>
    %eq3A_76 = vector.broadcast %broadcast_in_dim3A_75 : vector<128x1xf32> to vector<128x16384xf32>
    %eq3A_77 = arith.cmpf oeq, %select_n3A_72, %eq3A_76 : vector<128x16384xf32>
    %jit3A_78 = arith.constant 16384 : i32
    %broadcast_in_dim3A_79 = vector.broadcast %jit3A_78 : i32 to vector<128x16384xi32>
    %select_n3A_80 = arith.select %eq3A_77, %iota3A, %broadcast_in_dim3A_79 : vector<128x16384xi1>, vector<128x16384xi32>
    %reduce_min3A_81 = arith.constant dense<2147483647> : vector<128xi32>
    %reduce_min3A_82 = vector.multi_reduction <minsi>, %select_n3A_80, %reduce_min3A_81 [1] : vector<128x16384xi32> to vector<128xi32>
    %broadcast_in_dim3A_83 = vector.shape_cast %reduce_min3A_82 : vector<128xi32> to vector<128x1xi32>
    %concatenate3A_84 = tpu.concatenate %broadcast_in_dim3A_51, %broadcast_in_dim3A_67, %broadcast_in_dim3A_83 in 1 : vector<128x1xi32>, vector<128x1xi32>, vector<128x1xi32> -> vector<128x3xi32>
    %mul3A_85 = arith.constant 16384 : i32
    %mul3A_86 = arith.muli %select_n3A, %mul3A_85 : i32
    %add3A_87 = vector.broadcast %mul3A_86 : i32 to vector<128x3xi32>
    %add3A_88 = arith.addi %concatenate3A_84, %add3A_87 : vector<128x3xi32>
    %swap3A = arith.constant 0 : index
    %swap3A_89 = arith.constant 0 : index
    %swap3A_90 = arith.constant 0 : index
    %swap3A_91 = vector.load %arg5[%swap3A, %swap3A_89, %swap3A_90] : memref<1x128x3xi32, #tpu.memory_space<vmem>>, vector<1x128x3xi32>
    %swap3A_92 = vector.shape_cast %swap3A_91 : vector<1x128x3xi32> to vector<128x3xi32>
    %swap3A_93 = vector.shape_cast %add3A_88 : vector<128x3xi32> to vector<1x128x3xi32>
    tpu.vector_store %arg5[%swap3A, %swap3A_89, %swap3A_90], %swap3A_93 {strides = array<i32>} : memref<1x128x3xi32, #tpu.memory_space<vmem>>, vector<1x128x3xi32>,
    return
  }
  func.func @transform_0(%arg0: i32) -> (i32, i32) {
    %jit3A = arith.constant 32 : i32
    %eq3A = arith.constant 0 : i32
    %eq3A_0 = arith.cmpi eq, %jit3A, %eq3A : i32
    %jit3A_1 = arith.constant 1 : i32
    %select_n3A = arith.select %eq3A_0, %jit3A_1, %jit3A : i32
    %rem3A = arith.remsi %arg0, %select_n3A : i32
    %ne3A = arith.constant 0 : i32
    %ne3A_2 = arith.cmpi ne, %rem3A, %ne3A : i32
    %lt3A = arith.constant 0 : i32
    %lt3A_3 = arith.cmpi slt, %rem3A, %lt3A : i32
    %lt3A_4 = arith.constant 0 : i32
    %lt3A_5 = arith.cmpi slt, %select_n3A, %lt3A_4 : i32
    %ne3A_6 = arith.xori %lt3A_3, %lt3A_5 : i1
    %and3A = arith.andi %ne3A_6, %ne3A_2 : i1
    %add3A = arith.addi %rem3A, %select_n3A : i32
    %select_n3A_7 = arith.select %and3A, %add3A, %rem3A : i32
    %c0_i32 = arith.constant 0 : i32
    %c0_i32_8 = arith.constant 0 : i32
    return %select_n3A_7, %c0_i32 : i32, i32
  }
  func.func @transform_1(%arg0: i32) -> (i32, i32) {
    %jit3A = arith.constant 32 : i32
    %eq3A = arith.constant 0 : i32
    %eq3A_0 = arith.cmpi eq, %jit3A, %eq3A : i32
    %jit3A_1 = arith.constant 1 : i32
    %select_n3A = arith.select %eq3A_0, %jit3A_1, %jit3A : i32
    %rem3A = arith.remsi %arg0, %select_n3A : i32
    %ne3A = arith.constant 0 : i32
    %ne3A_2 = arith.cmpi ne, %rem3A, %ne3A : i32
    %lt3A = arith.constant 0 : i32
    %lt3A_3 = arith.cmpi slt, %rem3A, %lt3A : i32
    %lt3A_4 = arith.constant 0 : i32
    %lt3A_5 = arith.cmpi slt, %select_n3A, %lt3A_4 : i32
    %ne3A_6 = arith.xori %lt3A_3, %lt3A_5 : i1
    %and3A = arith.andi %ne3A_6, %ne3A_2 : i1
    %add3A = arith.addi %rem3A, %select_n3A : i32
    %select_n3A_7 = arith.select %and3A, %add3A, %rem3A : i32
    %c0_i32 = arith.constant 0 : i32
    %c0_i32_8 = arith.constant 0 : i32
    return %select_n3A_7, %c0_i32 : i32, i32
  }
  func.func @transform_2(%arg0: i32) -> (i32, i32, i32) {
    %jit3A = arith.constant 32 : i32
    %div3A = arith.divsi %arg0, %jit3A : i32
    %sign3A = arith.constant 0 : i32
    %sign3A_0 = arith.cmpi sgt, %arg0, %sign3A : i32
    %sign3A_1 = arith.extui %sign3A_0 : i1 to i32
    %sign3A_2 = arith.constant 0 : i32
    %sign3A_3 = arith.cmpi slt, %arg0, %sign3A_2 : i32
    %sign3A_4 = arith.extui %sign3A_3 : i1 to i32
    %sign3A_5 = arith.subi %sign3A_1, %sign3A_4 : i32
    %sign3A_6 = arith.constant 0 : i32
    %sign3A_7 = arith.cmpi sgt, %jit3A, %sign3A_6 : i32
    %sign3A_8 = arith.extui %sign3A_7 : i1 to i32
    %sign3A_9 = arith.constant 0 : i32
    %sign3A_10 = arith.cmpi slt, %jit3A, %sign3A_9 : i32
    %sign3A_11 = arith.extui %sign3A_10 : i1 to i32
    %sign3A_12 = arith.subi %sign3A_8, %sign3A_11 : i32
    %ne3A = arith.cmpi ne, %sign3A_5, %sign3A_12 : i32
    %rem3A = arith.remsi %arg0, %jit3A : i32
    %ne3A_13 = arith.constant 0 : i32
    %ne3A_14 = arith.cmpi ne, %rem3A, %ne3A_13 : i32
    %and3A = arith.andi %ne3A, %ne3A_14 : i1
    %sub3A = arith.constant 1 : i32
    %sub3A_15 = arith.subi %div3A, %sub3A : i32
    %select_n3A = arith.select %and3A, %sub3A_15, %div3A : i32
    %c0_i32 = arith.constant 0 : i32
    %c0_i32_16 = arith.constant 0 : i32
    %c0_i32_17 = arith.constant 0 : i32
    return %select_n3A, %c0_i32, %c0_i32_16 : i32, i32, i32
  }
  func.func @transform_3(%arg0: i32) -> (i32, i32, i32) {
    %jit3A = arith.constant 32 : i32
    %div3A = arith.divsi %arg0, %jit3A : i32
    %sign3A = arith.constant 0 : i32
    %sign3A_0 = arith.cmpi sgt, %arg0, %sign3A : i32
    %sign3A_1 = arith.extui %sign3A_0 : i1 to i32
    %sign3A_2 = arith.constant 0 : i32
    %sign3A_3 = arith.cmpi slt, %arg0, %sign3A_2 : i32
    %sign3A_4 = arith.extui %sign3A_3 : i1 to i32
    %sign3A_5 = arith.subi %sign3A_1, %sign3A_4 : i32
    %sign3A_6 = arith.constant 0 : i32
    %sign3A_7 = arith.cmpi sgt, %jit3A, %sign3A_6 : i32
    %sign3A_8 = arith.extui %sign3A_7 : i1 to i32
    %sign3A_9 = arith.constant 0 : i32
    %sign3A_10 = arith.cmpi slt, %jit3A, %sign3A_9 : i32
    %sign3A_11 = arith.extui %sign3A_10 : i1 to i32
    %sign3A_12 = arith.subi %sign3A_8, %sign3A_11 : i32
    %ne3A = arith.cmpi ne, %sign3A_5, %sign3A_12 : i32
    %rem3A = arith.remsi %arg0, %jit3A : i32
    %ne3A_13 = arith.constant 0 : i32
    %ne3A_14 = arith.cmpi ne, %rem3A, %ne3A_13 : i32
    %and3A = arith.andi %ne3A, %ne3A_14 : i1
    %sub3A = arith.constant 1 : i32
    %sub3A_15 = arith.subi %div3A, %sub3A : i32
    %select_n3A = arith.select %and3A, %sub3A_15, %div3A : i32
    %c0_i32 = arith.constant 0 : i32
    %c0_i32_16 = arith.constant 0 : i32
    %c0_i32_17 = arith.constant 0 : i32
    return %select_n3A, %c0_i32, %c0_i32_16 : i32, i32, i32
  }
  func.func @transform_4(%arg0: i32) -> (i32, i32, i32) {
    %c0_i32 = arith.constant 0 : i32
    %c0_i32_0 = arith.constant 0 : i32
    %c0_i32_1 = arith.constant 0 : i32
    return %arg0, %c0_i32, %c0_i32_0 : i32, i32, i32
  }
}

module attributes {stable_mosaic.version = 14 : i64} {
  func.func @_trunk_body(%arg0: i32, %arg1: i32, %arg2: memref<1x512x16xf32, #tpu.memory_space<vmem>>, %arg3: memref<1x512x16xf32, #tpu.memory_space<vmem>>, %arg4: memref<1x512x16xf32, #tpu.memory_space<vmem>>, %arg5: memref<512x1xf32, #tpu.memory_space<vmem>>, %arg6: memref<512x1xf32, #tpu.memory_space<vmem>>, %arg7: memref<16x64xf32, #tpu.memory_space<vmem>>, %arg8: memref<64x64xf32, #tpu.memory_space<vmem>>, %arg9: memref<1x64xf32, #tpu.memory_space<vmem>>, %arg10: memref<64x256xf32, #tpu.memory_space<vmem>>, %arg11: memref<1x256xf32, #tpu.memory_space<vmem>>, %arg12: memref<256x256xf32, #tpu.memory_space<vmem>>, %arg13: memref<1x256xf32, #tpu.memory_space<vmem>>, %arg14: memref<1x8x256xf32, #tpu.memory_space<vmem>>, %arg15: memref<8x256xf32, #tpu.memory_space<vmem>>) attributes {dimension_semantics = [#tpu.dimension_semantics<arbitrary>, #tpu.dimension_semantics<arbitrary>], iteration_bounds = array<i64: 2, 8>, scalar_prefetch = 0 : i64, scratch_operands = 1 : i64, tpu.core_type = #tpu.core_type<tc>, window_params = [{transform_indices = @transform_0, window_bounds = array<i64: 1, 512, 16>}, {transform_indices = @transform_1, window_bounds = array<i64: 1, 512, 16>}, {transform_indices = @transform_2, window_bounds = array<i64: 1, 512, 16>}, {transform_indices = @transform_3, window_bounds = array<i64: 512, 1>}, {transform_indices = @transform_4, window_bounds = array<i64: 512, 1>}, {pipeline_mode = #tpu.pipeline_mode<synchronous>, transform_indices = @transform_5, window_bounds = array<i64: 16, 64>}, {pipeline_mode = #tpu.pipeline_mode<synchronous>, transform_indices = @transform_6, window_bounds = array<i64: 64, 64>}, {pipeline_mode = #tpu.pipeline_mode<synchronous>, transform_indices = @transform_7, window_bounds = array<i64: 1, 64>}, {pipeline_mode = #tpu.pipeline_mode<synchronous>, transform_indices = @transform_8, window_bounds = array<i64: 64, 256>}, {pipeline_mode = #tpu.pipeline_mode<synchronous>, transform_indices = @transform_9, window_bounds = array<i64: 1, 256>}, {pipeline_mode = #tpu.pipeline_mode<synchronous>, transform_indices = @transform_10, window_bounds = array<i64: 256, 256>}, {pipeline_mode = #tpu.pipeline_mode<synchronous>, transform_indices = @transform_11, window_bounds = array<i64: 1, 256>}, {transform_indices = @transform_12, window_bounds = array<i64: 1, 8, 256>}]} {
    %eq3A = arith.constant 0 : i32
    %eq3A_0 = arith.cmpi eq, %arg1, %eq3A : i32
    %convert_element_type3A = arith.extui %eq3A_0 : i1 to i32
    %cond3A = arith.constant 0 : i32
    %cond3A_1 = arith.cmpi ne, %convert_element_type3A, %cond3A : i32
    scf.if %cond3A_1 {
      %broadcast_in_dim3A_118 = arith.constant 0.000000e+00 : f32
      %broadcast_in_dim3A_119 = vector.broadcast %broadcast_in_dim3A_118 : f32 to vector<8x256xf32>
      %swap3A_120 = arith.constant 0 : index
      %swap3A_121 = arith.constant 0 : index
      %swap3A_122 = vector.load %arg15[%swap3A_120, %swap3A_121] : memref<8x256xf32, #tpu.memory_space<vmem>>, vector<8x256xf32>
      tpu.vector_store %arg15[%swap3A_120, %swap3A_121], %broadcast_in_dim3A_119 {strides = array<i32>} : memref<8x256xf32, #tpu.memory_space<vmem>>, vector<8x256xf32>,
    } else {
    }
    %get3A = arith.constant 0 : index
    %get3A_2 = arith.constant 0 : index
    %get3A_3 = vector.load %arg5[%get3A, %get3A_2] : memref<512x1xf32, #tpu.memory_space<vmem>>, vector<512x1xf32>
    %get3A_4 = arith.constant 0 : index
    %get3A_5 = arith.constant 0 : index
    %get3A_6 = vector.load %arg6[%get3A_4, %get3A_5] : memref<512x1xf32, #tpu.memory_space<vmem>>, vector<512x1xf32>
    %get3A_7 = arith.constant 0 : index
    %get3A_8 = arith.constant 0 : index
    %get3A_9 = arith.constant 0 : index
    %get3A_10 = vector.load %arg2[%get3A_7, %get3A_8, %get3A_9] : memref<1x512x16xf32, #tpu.memory_space<vmem>>, vector<1x512x16xf32>
    %get3A_11 = vector.shape_cast %get3A_10 : vector<1x512x16xf32> to vector<512x16xf32>
    %slice3A = vector.extract_strided_slice %get3A_11 {offsets = [0, 3], sizes = [512, 1], strides = [1, 1]} : vector<512x16xf32> to vector<512x1xf32>
    %sub3A = arith.subf %slice3A, %get3A_3 : vector<512x1xf32>
    %slice3A_12 = vector.extract_strided_slice %get3A_11 {offsets = [0, 4], sizes = [512, 1], strides = [1, 1]} : vector<512x16xf32> to vector<512x1xf32>
    %sub3A_13 = arith.subf %slice3A_12, %get3A_6 : vector<512x1xf32>
    %mul3A = arith.mulf %sub3A, %sub3A : vector<512x1xf32>
    %mul3A_14 = arith.mulf %sub3A_13, %sub3A_13 : vector<512x1xf32>
    %add3A = arith.addf %mul3A, %mul3A_14 : vector<512x1xf32>
    %max3A = arith.constant 1.000000e-16 : f32
    %max3A_15 = vector.broadcast %max3A : f32 to vector<512x1xf32>
    %max3A_16 = arith.maximumf %add3A, %max3A_15 : vector<512x1xf32>
    %div3A = arith.constant 1.000000e+00 : f32
    %div3A_17 = vector.broadcast %div3A : f32 to vector<512x1xf32>
    %div3A_18 = arith.divf %div3A_17, %max3A_16 : vector<512x1xf32>
    %mul3A_19 = vector.broadcast %div3A_18 : vector<512x1xf32> to vector<512x16xf32>
    %mul3A_20 = arith.mulf %mul3A_19, %get3A_11 : vector<512x16xf32>
    %get3A_21 = arith.constant 0 : index
    %get3A_22 = arith.constant 0 : index
    %get3A_23 = arith.constant 0 : index
    %get3A_24 = vector.load %arg3[%get3A_21, %get3A_22, %get3A_23] : memref<1x512x16xf32, #tpu.memory_space<vmem>>, vector<1x512x16xf32>
    %get3A_25 = vector.shape_cast %get3A_24 : vector<1x512x16xf32> to vector<512x16xf32>
    %slice3A_26 = vector.extract_strided_slice %get3A_25 {offsets = [0, 3], sizes = [512, 1], strides = [1, 1]} : vector<512x16xf32> to vector<512x1xf32>
    %sub3A_27 = arith.subf %slice3A_26, %get3A_3 : vector<512x1xf32>
    %slice3A_28 = vector.extract_strided_slice %get3A_25 {offsets = [0, 4], sizes = [512, 1], strides = [1, 1]} : vector<512x16xf32> to vector<512x1xf32>
    %sub3A_29 = arith.subf %slice3A_28, %get3A_6 : vector<512x1xf32>
    %mul3A_30 = arith.mulf %sub3A_27, %sub3A_27 : vector<512x1xf32>
    %mul3A_31 = arith.mulf %sub3A_29, %sub3A_29 : vector<512x1xf32>
    %add3A_32 = arith.addf %mul3A_30, %mul3A_31 : vector<512x1xf32>
    %max3A_33 = arith.constant 1.000000e-16 : f32
    %max3A_34 = vector.broadcast %max3A_33 : f32 to vector<512x1xf32>
    %max3A_35 = arith.maximumf %add3A_32, %max3A_34 : vector<512x1xf32>
    %div3A_36 = arith.constant 1.000000e+00 : f32
    %div3A_37 = vector.broadcast %div3A_36 : f32 to vector<512x1xf32>
    %div3A_38 = arith.divf %div3A_37, %max3A_35 : vector<512x1xf32>
    %mul3A_39 = vector.broadcast %div3A_38 : vector<512x1xf32> to vector<512x16xf32>
    %mul3A_40 = arith.mulf %mul3A_39, %get3A_25 : vector<512x16xf32>
    %add3A_41 = arith.addf %mul3A_20, %mul3A_40 : vector<512x16xf32>
    %add3A_42 = arith.addf %div3A_18, %div3A_38 : vector<512x1xf32>
    %get3A_43 = arith.constant 0 : index
    %get3A_44 = arith.constant 0 : index
    %get3A_45 = arith.constant 0 : index
    %get3A_46 = vector.load %arg4[%get3A_43, %get3A_44, %get3A_45] : memref<1x512x16xf32, #tpu.memory_space<vmem>>, vector<1x512x16xf32>
    %get3A_47 = vector.shape_cast %get3A_46 : vector<1x512x16xf32> to vector<512x16xf32>
    %slice3A_48 = vector.extract_strided_slice %get3A_47 {offsets = [0, 3], sizes = [512, 1], strides = [1, 1]} : vector<512x16xf32> to vector<512x1xf32>
    %sub3A_49 = arith.subf %slice3A_48, %get3A_3 : vector<512x1xf32>
    %slice3A_50 = vector.extract_strided_slice %get3A_47 {offsets = [0, 4], sizes = [512, 1], strides = [1, 1]} : vector<512x16xf32> to vector<512x1xf32>
    %sub3A_51 = arith.subf %slice3A_50, %get3A_6 : vector<512x1xf32>
    %mul3A_52 = arith.mulf %sub3A_49, %sub3A_49 : vector<512x1xf32>
    %mul3A_53 = arith.mulf %sub3A_51, %sub3A_51 : vector<512x1xf32>
    %add3A_54 = arith.addf %mul3A_52, %mul3A_53 : vector<512x1xf32>
    %max3A_55 = arith.constant 1.000000e-16 : f32
    %max3A_56 = vector.broadcast %max3A_55 : f32 to vector<512x1xf32>
    %max3A_57 = arith.maximumf %add3A_54, %max3A_56 : vector<512x1xf32>
    %div3A_58 = arith.constant 1.000000e+00 : f32
    %div3A_59 = vector.broadcast %div3A_58 : f32 to vector<512x1xf32>
    %div3A_60 = arith.divf %div3A_59, %max3A_57 : vector<512x1xf32>
    %mul3A_61 = vector.broadcast %div3A_60 : vector<512x1xf32> to vector<512x16xf32>
    %mul3A_62 = arith.mulf %mul3A_61, %get3A_47 : vector<512x16xf32>
    %add3A_63 = arith.addf %add3A_41, %mul3A_62 : vector<512x16xf32>
    %add3A_64 = arith.addf %add3A_42, %div3A_60 : vector<512x1xf32>
    %div3A_65 = vector.broadcast %add3A_64 : vector<512x1xf32> to vector<512x16xf32>
    %div3A_66 = arith.divf %add3A_63, %div3A_65 : vector<512x16xf32>
    %get3A_67 = arith.constant 0 : index
    %get3A_68 = arith.constant 0 : index
    %get3A_69 = vector.load %arg7[%get3A_67, %get3A_68] : memref<16x64xf32, #tpu.memory_space<vmem>>, vector<16x64xf32>
    %get3A_70 = arith.constant 0 : index
    %get3A_71 = arith.constant 0 : index
    %get3A_72 = vector.load %arg8[%get3A_70, %get3A_71] : memref<64x64xf32, #tpu.memory_space<vmem>>, vector<64x64xf32>
    %dot_general3A = arith.constant dense<0.000000e+00> : vector<16x64xf32>
    %dot_general3A_73 = tpu.matmul %get3A_69, %get3A_72, %dot_general3A {dimension_numbers = #tpu.dot_dimension_numbers<[1], [0], [0], [1], [0, 0, 1, 1], [], []>, transpose_lhs_hint = false} : vector<16x64xf32>, vector<64x64xf32>, vector<16x64xf32> -> vector<16x64xf32>
    %get3A_74 = arith.constant 0 : index
    %get3A_75 = arith.constant 0 : index
    %get3A_76 = vector.load %arg9[%get3A_74, %get3A_75] : memref<1x64xf32, #tpu.memory_space<vmem>>, vector<1x64xf32>
    %dot_general3A_77 = arith.constant dense<0.000000e+00> : vector<512x64xf32>
    %dot_general3A_78 = tpu.matmul %div3A_66, %dot_general3A_73, %dot_general3A_77 {dimension_numbers = #tpu.dot_dimension_numbers<[1], [0], [0], [1], [0, 0, 1, 1], [], []>, transpose_lhs_hint = false} : vector<512x16xf32>, vector<16x64xf32>, vector<512x64xf32> -> vector<512x64xf32>
    %add3A_79 = vector.broadcast %get3A_76 : vector<1x64xf32> to vector<512x64xf32>
    %add3A_80 = arith.addf %dot_general3A_78, %add3A_79 : vector<512x64xf32>
    %get3A_81 = arith.constant 0 : index
    %get3A_82 = arith.constant 0 : index
    %get3A_83 = vector.load %arg10[%get3A_81, %get3A_82] : memref<64x256xf32, #tpu.memory_space<vmem>>, vector<64x256xf32>
    %dot_general3A_84 = arith.constant dense<0.000000e+00> : vector<512x256xf32>
    %dot_general3A_85 = tpu.matmul %add3A_80, %get3A_83, %dot_general3A_84 {dimension_numbers = #tpu.dot_dimension_numbers<[1], [0], [0], [1], [0, 0, 1, 1], [], []>, transpose_lhs_hint = false} : vector<512x64xf32>, vector<64x256xf32>, vector<512x256xf32> -> vector<512x256xf32>
    %get3A_86 = arith.constant 0 : index
    %get3A_87 = arith.constant 0 : index
    %get3A_88 = vector.load %arg11[%get3A_86, %get3A_87] : memref<1x256xf32, #tpu.memory_space<vmem>>, vector<1x256xf32>
    %add3A_89 = vector.broadcast %get3A_88 : vector<1x256xf32> to vector<512x256xf32>
    %add3A_90 = arith.addf %dot_general3A_85, %add3A_89 : vector<512x256xf32>
    %integer_pow3A = arith.mulf %add3A_90, %add3A_90 : vector<512x256xf32>
    %integer_pow3A_91 = arith.mulf %add3A_90, %integer_pow3A : vector<512x256xf32>
    %mul3A_92 = arith.constant 4.471500e-02 : f32
    %mul3A_93 = vector.broadcast %mul3A_92 : f32 to vector<512x256xf32>
    %mul3A_94 = arith.mulf %mul3A_93, %integer_pow3A_91 : vector<512x256xf32>
    %add3A_95 = arith.addf %add3A_90, %mul3A_94 : vector<512x256xf32>
    %mul3A_96 = arith.constant 0.797884583 : f32
    %mul3A_97 = vector.broadcast %mul3A_96 : f32 to vector<512x256xf32>
    %mul3A_98 = arith.mulf %mul3A_97, %add3A_95 : vector<512x256xf32>
    %tanh3A = math.tanh %mul3A_98 : vector<512x256xf32>
    %add3A_99 = arith.constant 1.000000e+00 : f32
    %add3A_100 = vector.broadcast %add3A_99 : f32 to vector<512x256xf32>
    %add3A_101 = arith.addf %add3A_100, %tanh3A : vector<512x256xf32>
    %mul3A_102 = arith.constant 5.000000e-01 : f32
    %mul3A_103 = vector.broadcast %mul3A_102 : f32 to vector<512x256xf32>
    %mul3A_104 = arith.mulf %mul3A_103, %add3A_101 : vector<512x256xf32>
    %mul3A_105 = arith.mulf %add3A_90, %mul3A_104 : vector<512x256xf32>
    %get3A_106 = arith.constant 0 : index
    %get3A_107 = arith.constant 0 : index
    %get3A_108 = vector.load %arg15[%get3A_106, %get3A_107] : memref<8x256xf32, #tpu.memory_space<vmem>>, vector<1x256xf32>
    %reduce_sum3A = arith.constant dense<0.000000e+00> : vector<256xf32>
    %reduce_sum3A_109 = vector.multi_reduction <add>, %mul3A_105, %reduce_sum3A [0] : vector<512x256xf32> to vector<256xf32>
    %broadcast_in_dim3A = vector.shape_cast %reduce_sum3A_109 : vector<256xf32> to vector<1x256xf32>
    %add3A_110 = arith.addf %get3A_108, %broadcast_in_dim3A : vector<1x256xf32>
    %swap3A = arith.constant 0 : index
    %swap3A_111 = arith.constant 0 : index
    %swap3A_112 = vector.load %arg15[%swap3A, %swap3A_111] : memref<8x256xf32, #tpu.memory_space<vmem>>, vector<1x256xf32>
    tpu.vector_store %arg15[%swap3A, %swap3A_111], %add3A_110 {strides = array<i32>} : memref<8x256xf32, #tpu.memory_space<vmem>>, vector<1x256xf32>,
    %eq3A_113 = arith.constant 7 : i32
    %eq3A_114 = arith.cmpi eq, %arg1, %eq3A_113 : i32
    %convert_element_type3A_115 = arith.extui %eq3A_114 : i1 to i32
    %cond3A_116 = arith.constant 0 : i32
    %cond3A_117 = arith.cmpi ne, %convert_element_type3A_115, %cond3A_116 : i32
    scf.if %cond3A_117 {
      %get3A_118 = arith.constant 0 : index
      %get3A_119 = arith.constant 0 : index
      %get3A_120 = vector.load %arg15[%get3A_118, %get3A_119] : memref<8x256xf32, #tpu.memory_space<vmem>>, vector<1x256xf32>
      %mul3A_121 = arith.constant 2.44140625E-4 : f32
      %mul3A_122 = vector.broadcast %mul3A_121 : f32 to vector<1x256xf32>
      %mul3A_123 = arith.mulf %get3A_120, %mul3A_122 : vector<1x256xf32>
      %get3A_124 = arith.constant 0 : index
      %get3A_125 = arith.constant 0 : index
      %get3A_126 = vector.load %arg12[%get3A_124, %get3A_125] : memref<256x256xf32, #tpu.memory_space<vmem>>, vector<256x256xf32>
      %dot_general3A_127 = arith.constant dense<0.000000e+00> : vector<1x256xf32>
      %dot_general3A_128 = tpu.matmul %mul3A_123, %get3A_126, %dot_general3A_127 {dimension_numbers = #tpu.dot_dimension_numbers<[1], [0], [0], [1], [0, 0, 1, 1], [], []>, transpose_lhs_hint = false} : vector<1x256xf32>, vector<256x256xf32>, vector<1x256xf32> -> vector<1x256xf32>
      %get3A_129 = arith.constant 0 : index
      %get3A_130 = arith.constant 0 : index
      %get3A_131 = vector.load %arg13[%get3A_129, %get3A_130] : memref<1x256xf32, #tpu.memory_space<vmem>>, vector<1x256xf32>
      %add3A_132 = arith.addf %dot_general3A_128, %get3A_131 : vector<1x256xf32>
      %broadcast_in_dim3A_133 = vector.shape_cast %add3A_132 : vector<1x256xf32> to vector<1x1x256xf32>
      %broadcast_in_dim3A_134 = vector.shape_cast %broadcast_in_dim3A_133 : vector<1x1x256xf32> to vector<1x1x256xf32>
      %broadcast_in_dim3A_135 = vector.broadcast %broadcast_in_dim3A_134 : vector<1x1x256xf32> to vector<1x8x256xf32>
      %swap3A_136 = arith.constant 0 : index
      %swap3A_137 = arith.constant 0 : index
      %swap3A_138 = arith.constant 0 : index
      %swap3A_139 = vector.load %arg14[%swap3A_136, %swap3A_137, %swap3A_138] : memref<1x8x256xf32, #tpu.memory_space<vmem>>, vector<1x8x256xf32>
      tpu.vector_store %arg14[%swap3A_136, %swap3A_137, %swap3A_138], %broadcast_in_dim3A_135 {strides = array<i32>} : memref<1x8x256xf32, #tpu.memory_space<vmem>>, vector<1x8x256xf32>,
    } else {
    }
    return
  }
  func.func @transform_0(%arg0: i32, %arg1: i32) -> (i32, i32, i32) {
    %mul3A = arith.constant 8 : i32
    %mul3A_0 = arith.muli %arg0, %mul3A : i32
    %add3A = arith.addi %mul3A_0, %arg1 : i32
    %c0_i32 = arith.constant 0 : i32
    %c0_i32_1 = arith.constant 0 : i32
    %c0_i32_2 = arith.constant 0 : i32
    return %c0_i32, %add3A, %c0_i32_1 : i32, i32, i32
  }
  func.func @transform_1(%arg0: i32, %arg1: i32) -> (i32, i32, i32) {
    %mul3A = arith.constant 8 : i32
    %mul3A_0 = arith.muli %arg0, %mul3A : i32
    %add3A = arith.addi %mul3A_0, %arg1 : i32
    %c1_i32 = arith.constant 1 : i32
    %c0_i32 = arith.constant 0 : i32
    %c0_i32_1 = arith.constant 0 : i32
    return %c1_i32, %add3A, %c0_i32 : i32, i32, i32
  }
  func.func @transform_2(%arg0: i32, %arg1: i32) -> (i32, i32, i32) {
    %mul3A = arith.constant 8 : i32
    %mul3A_0 = arith.muli %arg0, %mul3A : i32
    %add3A = arith.addi %mul3A_0, %arg1 : i32
    %c2_i32 = arith.constant 2 : i32
    %c0_i32 = arith.constant 0 : i32
    %c0_i32_1 = arith.constant 0 : i32
    return %c2_i32, %add3A, %c0_i32 : i32, i32, i32
  }
  func.func @transform_3(%arg0: i32, %arg1: i32) -> (i32, i32) {
    %c0_i32 = arith.constant 0 : i32
    %c0_i32_0 = arith.constant 0 : i32
    return %arg1, %c0_i32 : i32, i32
  }
  func.func @transform_4(%arg0: i32, %arg1: i32) -> (i32, i32) {
    %c0_i32 = arith.constant 0 : i32
    %c0_i32_0 = arith.constant 0 : i32
    return %arg1, %c0_i32 : i32, i32
  }
  func.func @transform_5(%arg0: i32, %arg1: i32) -> (i32, i32) {
    %c0_i32 = arith.constant 0 : i32
    %c0_i32_0 = arith.constant 0 : i32
    %c0_i32_1 = arith.constant 0 : i32
    return %c0_i32, %c0_i32_0 : i32, i32
  }
  func.func @transform_6(%arg0: i32, %arg1: i32) -> (i32, i32) {
    %c0_i32 = arith.constant 0 : i32
    %c0_i32_0 = arith.constant 0 : i32
    %c0_i32_1 = arith.constant 0 : i32
    return %c0_i32, %c0_i32_0 : i32, i32
  }
  func.func @transform_7(%arg0: i32, %arg1: i32) -> (i32, i32) {
    %c0_i32 = arith.constant 0 : i32
    %c0_i32_0 = arith.constant 0 : i32
    %c0_i32_1 = arith.constant 0 : i32
    return %c0_i32, %c0_i32_0 : i32, i32
  }
  func.func @transform_8(%arg0: i32, %arg1: i32) -> (i32, i32) {
    %c0_i32 = arith.constant 0 : i32
    %c0_i32_0 = arith.constant 0 : i32
    %c0_i32_1 = arith.constant 0 : i32
    return %c0_i32, %c0_i32_0 : i32, i32
  }
  func.func @transform_9(%arg0: i32, %arg1: i32) -> (i32, i32) {
    %c0_i32 = arith.constant 0 : i32
    %c0_i32_0 = arith.constant 0 : i32
    %c0_i32_1 = arith.constant 0 : i32
    return %c0_i32, %c0_i32_0 : i32, i32
  }
  func.func @transform_10(%arg0: i32, %arg1: i32) -> (i32, i32) {
    %c0_i32 = arith.constant 0 : i32
    %c0_i32_0 = arith.constant 0 : i32
    %c0_i32_1 = arith.constant 0 : i32
    return %c0_i32, %c0_i32_0 : i32, i32
  }
  func.func @transform_11(%arg0: i32, %arg1: i32) -> (i32, i32) {
    %c0_i32 = arith.constant 0 : i32
    %c0_i32_0 = arith.constant 0 : i32
    %c0_i32_1 = arith.constant 0 : i32
    return %c0_i32, %c0_i32_0 : i32, i32
  }
  func.func @transform_12(%arg0: i32, %arg1: i32) -> (i32, i32, i32) {
    %c0_i32 = arith.constant 0 : i32
    %c0_i32_0 = arith.constant 0 : i32
    %c0_i32_1 = arith.constant 0 : i32
    return %arg0, %c0_i32, %c0_i32_0 : i32, i32, i32
  }
}

</mosaic_0001>

<sc_bundles>
// kernel: kernel.5.cloned.1.call-start
scs
__scs_entry_jumppad:
0x0: {  	(pc) =	sbr.rel $0x88, $3  }
0x1: {  	(tag) =	ssettag $0x0;
	lr =	simm.s32 $0x1  }
0x2: {  	[smem:$0x3F97] =	sst lr;
	_ =	strace $0xD0000000  }
0x3: {  	_ = 	snop  }
0x4: {  	_ = 	snop  }
0x5: {  	_ = 	snop  }
0x6: {  	_ = 	snop  }
0x7: {  	_ = 	snop  }
__scs_overlays_trampoline_lowered:
0x8: {  	[smem:$0x3FA6] =	sst s0  }
0x9: {  	[smem:$0x3FA7] =	sst s1  }
0xa: {  	[smem:$0x3FA8] =	sst s2  }
0xb: {  	[smem:$0x3FA9] =	sst s3  }
0xc: {  	[smem:$0x3FAA] =	sst s4  }
0xd: {  	[smem:$0x3FAB] =	sst s5  }
0xe: {  	[smem:$0x3FAC] =	sst s6  }
0xf: {  	[smem:$0x3FAD] =	sst s7  }
0x10: {  	[smem:$0x3FAE] =	sst s8  }
0x11: {  	[smem:$0x3FAF] =	sst s9;
	s0 =	simm.s32 @!p0 $0x0  }
0x12: {  	s1 =	sld [smem:$0x3F95];
	s0 =	simm.s32 @p0 $0x1  }
0x13: {  	[smem:$0x3FB0] =	sst s0;
	s0 =	simm.s32 @!p1 $0x0  }
0x14: {  	s2 =	sld [smem:$0x3F94];
	s0 =	simm.s32 @p1 $0x1  }
0x15: {  	[smem:$0x3FB1] =	sst s0;
	s0 =	simm.s32 @!p2 $0x0  }
0x16: {  	s3 =	sld [smem:$0x3FDB];
	s0 =	simm.s32 @p2 $0x1  }
0x17: {  	s4 =	simm.s32 $0x1BF5;
	[smem:$0x3FB3] =	sst s0  }
0x18: {  	s0 =	sld [smem:$0x3F96];
	_ =	swait.ge [sflag:s4], $0x0  }
0x19: {  	s7 =	sld [smem:$0x3F97]  }
0x1a: {  	s8 =	sadd.s32 $0xFFFFE003, lr  }
0x1b: {  	s9 =	sadd.s32 $0xFFFFFEF7, lr;
	s5 =	simm.s32 $0xFFFFFFFF;
	p2 =	slt.u32 s8, $0xFFFFF086  }
0x1c: {  	p1 =	slt.u32 s9, $0xF7A;
	s5 =	simm.s32 @!p2 $0x0  }
0x1d: {  	s5 =	simm.s32 @p1 $0x1;
	p0 =	seq.s32 s7, s2  }
0x1e: {  	s7 =	smul.u32 @!p0 $0xF7A, s2;
	p2 =	seq.s32 @!p0 s5, $0x0  }
0x1f: {  	s9 =	smul.u32 $0xF7A, s1;
	s8 =	simm.s32 @!p0 $0x1BF5;
	p2 =	por !p2, p0  }
0x20: {  	[sflag:s8] =	ssyncset.s32 @!p0 $0xFFFFF086;
	s6 =	sadd.s32 @!p0 s3, s7;
	s7 =	simm.s32 @!p0 $0x108  }
0x21: {  	s3 =	sadd.s32 s3, s9;
	s6 =	sadd.s32 @!p0 $0x88, s6;
	s7 =	simm.s32 @p2 $0x1082  }
0x22: {  	[simem:s7], [sflag:s8] =	dma.local @!p0 [hbm:s6], $0xF7A  }
0x23: {  	s9 =	sor.u32 $0xD0000000, s2;
	s6 =	simm.s32 $0x108;
	_ =	swait.ge @!p0 [sflag:s8], $0x0  }
0x24: {  	s3 =	sadd.s32 $0x88, s3;
	s6 =	simm.s32 @!p1 $0x1082;
	[sflag:s4] =	ssyncset.s32 $0xFFFFF086  }
0x25: {  	[simem:s6], [sflag:s4] =	dma.local [hbm:s3], $0xF7A  }
0x26: {  	[smem:$0x3F97] =	sst s1;
	(tag) =	ssettag s2;
	_ =	strace s9  }
0x27: {  	s1 =	sld [smem:$0x3FA7]  }
0x28: {  	s2 =	sld [smem:$0x3FA8]  }
0x29: {  	s4 =	sld [smem:$0x3FAA]  }
0x2a: {  	p0 =	seq.s32 s5, $0x0;
	s5 =	sld [smem:$0x3FAB]  }
0x2b: {  	s6 =	sld [smem:$0x3FAC]  }
0x2c: {  	s7 =	sld [smem:$0x3FAD]  }
0x2d: {  	s3 =	simm.s32 $0x108;
	s8 =	sld [smem:$0x3FAE]  }
0x2e: {  	s3 =	simm.s32 @!p0 $0x1082;
	s9 =	sld [smem:$0x3FAF]  }
0x2f: {  	lr =	sadd.s32 s0, s3;
	s0 =	sld [smem:$0x3FA6]  }
0x30: {  	s3 =	sld [smem:$0x3FA9]  }
0x31: {  	[smem:$0x3FB2] =	sst s10  }
0x32: {  	s10 =	sld [smem:$0x3FB0];
	_ =	sdelay $0x3  }
0x33: {  	p0 =	seq.s32 s10, $0x1;
	s10 =	sld [smem:$0x3FB2];
	_ =	sdelay $0x3  }
0x34: {  	[smem:$0x3FB2] =	sst s10  }
0x35: {  	s10 =	sld [smem:$0x3FB1];
	_ =	sdelay $0x3  }
0x36: {  	p1 =	seq.s32 s10, $0x1;
	s10 =	sld [smem:$0x3FB2];
	_ =	sdelay $0x3  }
0x37: {  	[smem:$0x3FB2] =	sst s10  }
0x38: {  	s10 =	sld [smem:$0x3FB3]  }
0x39: {  	_ = 	snop;
	(pc) =	sbr.ind lr, $3  }
0x3a: {  	_ = 	snop  }
0x3b: {  	_ = 	snop  }
0x3c: {  	p2 =	seq.s32 s10, $0x1;
	s10 =	sld [smem:$0x3FB2]  }
0x3d: {  	_ =	shalt  }
0x3e: {  	_ =	shalt  }
0x3f: {  	_ =	shalt  }
0x40: {  	_ =	shalt  }
0x41: {  	_ =	shalt  }
0x42: {  	_ =	shalt  }
0x43: {  	_ =	shalt  }
0x44: {  	_ =	shalt  }
0x45: {  	_ =	shalt  }
0x46: {  	_ =	shalt  }
0x47: {  	_ =	shalt  }
0x48: {  	_ =	shalt  }
0x49: {  	_ =	shalt  }
0x4a: {  	_ =	shalt  }
0x4b: {  	_ =	shalt  }
0x4c: {  	_ =	shalt  }
0x4d: {  	_ =	shalt  }
0x4e: {  	_ =	shalt  }
0x4f: {  	_ =	shalt  }
0x50: {  	_ =	shalt  }
0x51: {  	_ =	shalt  }
0x52: {  	_ =	shalt  }
0x53: {  	_ =	shalt  }
0x54: {  	_ =	shalt  }
0x55: {  	_ =	shalt  }
0x56: {  	_ =	shalt  }
0x57: {  	_ =	shalt  }
0x58: {  	_ =	shalt  }
0x59: {  	_ =	shalt  }
0x5a: {  	_ =	shalt  }
0x5b: {  	_ =	shalt  }
0x5c: {  	_ =	shalt  }
0x5d: {  	_ =	shalt  }
0x5e: {  	_ =	shalt  }
0x5f: {  	_ =	shalt  }
0x60: {  	_ =	shalt  }
0x61: {  	_ =	shalt  }
0x62: {  	_ =	shalt  }
0x63: {  	_ =	shalt  }
0x64: {  	_ =	shalt  }
0x65: {  	_ =	shalt  }
0x66: {  	_ =	shalt  }
0x67: {  	_ =	shalt  }
0x68: {  	_ =	shalt  }
0x69: {  	_ =	shalt  }
0x6a: {  	_ =	shalt  }
0x6b: {  	_ =	shalt  }
0x6c: {  	_ =	shalt  }
0x6d: {  	_ =	shalt  }
0x6e: {  	_ =	shalt  }
0x6f: {  	_ =	shalt  }
0x70: {  	_ =	shalt  }
0x71: {  	_ =	shalt  }
0x72: {  	_ =	shalt  }
0x73: {  	_ =	shalt  }
0x74: {  	_ =	shalt  }
0x75: {  	_ =	shalt  }
0x76: {  	_ =	shalt  }
0x77: {  	_ =	shalt  }
0x78: {  	_ =	shalt  }
0x79: {  	_ =	shalt  }
0x7a: {  	_ =	shalt  }
0x7b: {  	_ =	shalt  }
0x7c: {  	_ =	shalt  }
0x7d: {  	_ =	shalt  }
0x7e: {  	_ =	shalt  }
0x7f: {  	_ =	shalt  }
0x80: {  	_ =	shalt  }
0x81: {  	_ =	shalt  }
0x82: {  	_ =	shalt  }
0x83: {  	_ =	shalt  }
0x84: {  	_ =	shalt  }
0x85: {  	_ =	shalt  }
0x86: {  	_ =	shalt  }
0x87: {  	_ =	shalt  }
.Lfunc_end0:
.L_simem_size_0:
called_computation_lowered:
.L_overlay_start_0:
0x88: {  	s2 =	sld [smem:$0x3FD9]  }
0x89: {  	s3 =	sld [smem:$0x3FFE];
	_ =	sdelay $0x1  }
0x8a: {  	s1 =	srdreg.scid  }
0x8b: {  	s0 =	sand.u32 $0x1, s1  }
0x8c: {  	s16 =	sshll.u32 s0, $0xA;
	s2 =	sadd.s32 s3, s2  }
0x8d: {  	s2 =	sadd.s32 s2, s16  }
0x8e: {  	[smem:$0x3FBE] =	sst s2  }
0x8f: {  	_ = 	snop  }
0x90: {  	(tm) =	ssettm $0x1  }
0x91: {  	s17 =	sld [smem:$0x3FFB];
	_ =	sdelay $0x3  }
0x92: {  	_ =	strace s17  }
0x93: {  	s2 =	sld [smem:$0x3FFC];
	_ =	sdelay $0x3  }
0x94: {  	_ =	strace s2  }
0x95: {  	s2 =	sld [smem:$0x3FFD];
	_ =	sdelay $0x3  }
0x96: {  	_ =	strace s2  }
0x97: {  	_ =	strace $0x8FFFFFFF  }
0x98: {  	s18 =	sld [smem:$0x3FDB];
	_ =	sdelay $0x1  }
0x99: {  	s19 =	simm.s32 $_scs_section_size  }
0x9a: {  	s4 =	simm.s32 $_size__tile_overlayer_lowered;
	s5 =	simm.s32 $_tile_overlayer_lowered  }
0x9b: {  	s22 =	simm.s32 $0x1BFF;
	s21 =	sshll.u32 s5, $0x1;
	s2 =	sadd.s32 s19, s18  }
0x9c: {  	s6 =	simm.s32 $0x0;
	s20 =	sshll.u32 s4, $0x1;
	s4 =	sadd.s32 s21, s2  }
0x9d: {  	[timem:s6], [sflag:s22] =	dma.local [hbm:s4], s20  }
0x9e: {  	_ =	swait.ge [sflag:s22], s20  }
0x9f: {  	s3 =	ssub.s32 $0x0, s20;
	[sflag:s22] =	ssyncset.done $0x0  }
0xa0: {  	[sflag:s22] =	ssyncadd.s32 s3;
	_ =	sdelay $0x1  }
0xa1: {  	s23 =	simm.s32 $0x1B8B  }
0xa2: {  	_ =	swait.ge [sflag:s23], $0x1  }
0xa3: {  	[sflag:s23] =	ssyncset.done $0x0  }
0xa4: {  	s25 =	simm.s32 $0x1B8E;
	s24 =	sld [smem:$0x3FFE];
	[sflag:s23] =	ssyncadd.s32 $0xFFFFFFFF  }
0xa5: {  	s26 =	simm.s32 $execute0_lowered;
	[smem:$0x3FD2] =	sst s25  }
0xa6: {  	s4 =	sshll.u32 s26, $0x1;
	_ =	strace $0x80000046;
	[dreg:$0x1] =	wrdreg $0xFFFFFFFF  }
0xa7: {  	s28 =	simm.s32 $_size_execute0_lowered;
	s2 =	sadd.s32 s2, s4;
	[dreg:$0x0] =	wrdreg $0x0  }
0xa8: {  	s4 =	sshll.u32 s28, $0x1;
	[dreg:$0x2] =	wrdreg s2  }
0xa9: {  	[dreg:$0x3] =	wrdreg s4  }
0xaa: {  	[dreg:$0x4] =	wrdreg $0xC0  }
0xab: {  	_ =	task [dreg:s6], $0x5FFFF  }
0xac: {  	[dreg:$0x1] =	wrdreg $0xFFFFFFFF  }
0xad: {  	[dreg:$0x0] =	wrdreg $0x60  }
0xae: {  	[dreg:$0x2] =	wrdreg s24  }
0xaf: {  	[dreg:$0x3] =	wrdreg $0x9  }
0xb0: {  	_ =	task.clear_ibuf [dreg:s6], $0x4FFFF;
	_ =	strace $0x90000046  }
0xb1: {  	s29 =	simm.s32 $0x9;
	_ =	strace $0x80000048  }
0xb2: {  	_ =	swait.ge [sflag:s29], $0x1  }
0xb3: {  	[sflag:s29] =	ssyncadd.s32 $0xFFFFFFFF  }
0xb4: {  	_ =	strace $0x90000048  }
0xb5: {  	_ =	sfence  }
0xb6: {  	s30 =	sld [smem:$0x0];
	_ =	sdelay $0x2  }
0xb7: {  	s31 =	sshll.u32 s1, $0xD;
	s1 =	sshrl.u32 s1, $0x2  }
0xb8: {  	s3 =	sand.u32 $0x4000, s31;
	s1 =	sadd.s32 s1, s30  }
0xb9: {  	s0 =	sor.u32 s3, s0;
	s1 =	sshll.u32 s1, $0x11  }
0xba: {  	s0 =	sor.u32 s1, s0  }
0xbb: {  	s0 =	sadd.s32 $0x8F2B, s0  }
0xbc: {  	[sflag:s0] =	ssyncadd.remote.s32 $0x1  }
0xbd: {  	_ =	sfence.sel $0xFFFF  }
0xbe: {  	[dreg:$0x0] =	wrdreg $0xFFFFFFFF;
	(pc) =	sbr.abs _section_cstart, $3  }
0xbf: {  	[dreg:$0x1] =	wrdreg $0xFFFFFFFF  }
0xc0: {  	_ =	task.clear_ibuf [dreg:s6], $0x2FFFF;
	_ =	strace $0x9FFFFFFF  }
0xc1: {  	(tm) =	ssettm $0x7FFFFFFF  }
tec
execute0_lowered:
.L_overlay_start_1:
0x0: {  	(tag) =	ssettag $0x1  }
0x1: {  	s1 =	srdreg.scid;
	s0 =	stileid.u32  }
0x2: {  	s6 =	sand.u32 $0x1, s1;
	s30 =	sshll.u32 s0, $0x1  }
0x3: {  	s8 =	rddreg [dreg:$0x0];
	s7 =	sor.u32 s6, s30  }
0x4: {  	s2 =	simm.s32 $0x0;
	s1 =	rddreg [dreg:$0x1];
	s3 =	smul.u32 $0x60, s7  }
0x5: {  	[smem:$0x7FF] =	sst s2;
	s5 =	sadd.s32 $0x81600, s8  }
0x6: {  	_ =	strace $0x80000047;
	s10 =	ssub.s32 $0x2, s6;
	s3 =	sadd.s32 s3, s8  }
0x7: {  	s6 =	simm.s32 $0x300;
	s4 =	sadd.s32 $0x1600, s3;
	s3 =	simm.s32 $0x2  }
0x8: {  	[tilespmem:s2], [sflag:$0x2] =	stream.linear.gather [hbm4b:s4+s2], $0x300, $0x38;
	[tilespmem:$0x3300] =	vst v63  }
0x9: {  	s9 =	smul.u32 $0x600, s7;
	s11 =	sshrl.u32 s10, $0x1;
	_ =	swait.ge [sflag:s3], $0x300  }
0xa: {  	s7 =	simm.s32 $0x1;
	s31 =	ssub.s32 s10, s11;
	[sflag:s3] =	ssyncset.done $0x0  }
0xb: {  	s8 =	sadd.s32 s9, s8;
	s9 =	smax.u32 s31, $0x1;
	[sflag:s3] =	ssyncadd.s32 $0xFFFFFD00  }
0xc: {  	[tilespmem:s6], [sflag:$0x1] =	stream.indirect.gather [hbm4b:s5+s6], $0x10, s2, s6, $0xb8;
	[tilespmem:$0x3300] =	vst v63  }
0xd: {  	p0 =	sne.s32 s9, $0x1;
	_ =	swait.ge [sflag:s7], $0x3000  }
.Ltmp0:
0xe: {  	[sflag:s7] =	ssyncset.done $0x0;
	(pc) =	sbr.rel @!p0 .LBB2_2-.Ltmp0, $4  }
0xf: {  	s8 =	sadd.s32 $0x2200, s8;
	[sflag:s7] =	ssyncadd.s32 $0xFFFFD000  }
0x10: {  	[hbm4b:s8+s2] =	stream.linear.scatter [tilespmem:s6], [sflag:$0x2], $0x3000, $0x38;
	[tilespmem:$0x3300] =	vst v63  }
0x11: {  	_ =	swait.ge [sflag:s3], $0x3000  }
0x12: {  	s9 =	sadd.s32 $0xFFFFFFFF, s9;
	[sflag:s3] =	ssyncset.done $0x0  }
.LBB2_1:
0x13: {  	p0 =	sne.s32 s9, $0x1;
	s9 =	sadd.s32 $0xFFFFFFFF, s9;
	[sflag:s3] =	ssyncadd.s32 $0xFFFFD000  }
0x14: {  	[tilespmem:s2], [sflag:$0x2] =	stream.linear.gather [hbm4b:s4+s2], $0x300, $0x38;
	[tilespmem:$0x3300] =	vst v63  }
0x15: {  	_ =	swait.ge [sflag:s3], $0x300  }
0x16: {  	[sflag:s3] =	ssyncset.done $0x0  }
0x17: {  	[sflag:s3] =	ssyncadd.s32 $0xFFFFFD00  }
0x18: {  	[tilespmem:s6], [sflag:$0x1] =	stream.indirect.gather [hbm4b:s5+s6], $0x10, s2, s6, $0xb8;
	[tilespmem:$0x3300] =	vst v63  }
0x19: {  	_ =	swait.ge [sflag:s7], $0x3000  }
.Ltmp1:
0x1a: {  	[sflag:s7] =	ssyncset.done $0x0;
	(pc) =	sbr.rel @p0 .LBB2_1-.Ltmp1, $4  }
0x1b: {  	[sflag:s7] =	ssyncadd.s32 $0xFFFFD000  }
0x1c: {  	[hbm4b:s8+s2] =	stream.linear.scatter [tilespmem:s6], [sflag:$0x2], $0x3000, $0x38;
	[tilespmem:$0x3300] =	vst v63  }
0x1d: {  	_ =	swait.ge [sflag:s3], $0x3000  }
0x1e: {  	[sflag:s3] =	ssyncset.done $0x0  }
.LBB2_2:
0x1f: {  	[sflag:s3] =	ssyncadd.s32 $0xFFFFD000  }
0x20: {  	_ =	sfence.sel $0x180000  }
0x21: {  	[bflag:$0x0] =	sbarrier.arrive $0xFFFF  }
0x22: {  	p0 =	sne.s32 s0, $0x0;
	_ =	strace $0x90000047  }
0x23: {  	s0 =	sadd.s32 @!p0 $0x100000, s1;
	[bflag:$0x2] =	sbarrier.arrive $0xFFFF  }
0x24: {  	[sflag:s0] =	ssyncadd.tile.s32 @!p0 $0x1;
	_ =	shalt  }
.Lfunc_end2:
_tile_overlayer_lowered:
.L_overlay_start_2:
0x25: {  	(tag) =	ssettag $0x2  }
0x26: {  	s0 =	rddreg [dreg:$0x0];
	s2 =	stileid.u32  }
0x27: {  	s1 =	rddreg [dreg:$0x1];
	p0 =	sne.s32 s2, $0x0  }
0x28: {  	s3 =	rddreg [dreg:$0x2];
	[bflag:$0x3] =	sbarrier.arrive $0xFFFF;
	s2 =	simm.s32 @!p0 $0x1C02  }
0x29: {  	[timem:s3], [sflag:s2] =	dma.local @!p0 [hbm:s0], s1  }
0x2a: {  	s0 =	simm.s32 @!p0 $0x2  }
0x2b: {  	_ =	swait.ge @!p0 [sflag:s0], s1  }
0x2c: {  	s1 =	ssub.s32 @!p0 $0x0, s1;
	[sflag:s0] =	ssyncset.done @!p0 $0x0  }
0x2d: {  	[sflag:s0] =	ssyncadd.s32 @!p0 s1  }
0x2e: {  	[bflag:$0x3] =	sbarrier.arrive $0xFFFF  }
0x2f: {  	_ =	shalt  }

</sc_bundles>
